<compile_context>
chip_gen: v7x
topology: tpu7x:2x2x1
jax: 0.10.2.dev20260603
libtpu: 0.0.44.dev20260713+nightly
codegen_flags: <defaults>
</compile_context>

<pallas_src>
import functools

import jax
import jax.numpy as jnp
from jax import lax
from jax.experimental import pallas as pl
from jax.experimental.pallas import tpu as pltpu
from jax.experimental.pallas import tpu_sc as plsc

N_NODES = 10000
H_DIM = 128
CHUNK = 128
IDXG = 8
NC = 2
NS = 16
NW = NC * NS
DEGW = 128
N_PAD = 10240
EPS = 1e-5



@functools.partial(jax.jit, static_argnames=("n_chunks",))
def _sc_aggregate(h, src_idx, dst_idx, n_chunks):
    n = N_PAD
    rows_per_sub = n // NS
    mesh = plsc.VectorSubcoreMesh(core_axis_name="c", subcore_axis_name="s")

    n_groups = n_chunks // IDXG
    assert n_chunks % IDXG == 0 and n_groups % 2 == 0 and IDXG % 2 == 0

    scratch = [
        pltpu.VMEM((2, IDXG, CHUNK), jnp.int32),
        pltpu.VMEM((2, IDXG, CHUNK), jnp.int32),
        pltpu.VMEM((2, CHUNK, H_DIM), jnp.float32),
        pltpu.VMEM_SHARED((n, H_DIM), jnp.float32),
        pltpu.SemaphoreType.DMA,
        pltpu.SemaphoreType.DMA,
        pltpu.SemaphoreType.DMA,
        pltpu.SemaphoreType.DMA,
        pltpu.SemaphoreType.DMA,
        pltpu.SemaphoreType.DMA,
    ]

    def body(h_hbm, src_hbm, dst_hbm, zrows_hbm, agg_out,
             src_v, dst_v, rowbuf, agg_sh,
             sr0, sr1, ss0, ss1, sd0, sd1):
        cid = lax.axis_index("c")
        sid = lax.axis_index("s")
        wid = cid * NS + sid
        sem_r = (sr0, sr1)
        sem_s = (ss0, ss1)
        sem_d = (sd0, sd1)

        def fetch_idx(g, slot):
            pltpu.async_copy(src_hbm.at[wid, pl.ds(g * IDXG, IDXG)],
                             src_v.at[slot], sem_s[slot])
            pltpu.async_copy(dst_hbm.at[wid, pl.ds(g * IDXG, IDXG)],
                             dst_v.at[slot], sem_d[slot])

        def wait_idx(slot):
            pltpu.make_async_copy(src_hbm.at[wid, pl.ds(0, IDXG)],
                                  src_v.at[slot], sem_s[slot]).wait()
            pltpu.make_async_copy(dst_hbm.at[wid, pl.ds(0, IDXG)],
                                  dst_v.at[slot], sem_d[slot]).wait()

        def gather(slot, k, rslot):
            pltpu.async_copy(h_hbm.at[src_v.at[slot, k]], rowbuf.at[rslot],
                             sem_r[rslot])

        def wait_row(rslot):
            pltpu.make_async_copy(h_hbm.at[src_v.at[0, 0]], rowbuf.at[rslot],
                                  sem_r[rslot]).wait()

        fetch_idx(0, 0)
        fetch_idx(1, 1)
        base = sid * rows_per_sub
        pltpu.sync_copy(zrows_hbm, agg_sh.at[pl.ds(base, rows_per_sub)])
        plsc.subcore_barrier()
        wait_idx(0)
        gather(0, 0, 0)

        def pair(p, carry):
            for s in range(2):
                g = 2 * p + s
                for k in range(IDXG):
                    if k < IDXG - 1:
                        gather(s, k + 1, (k + 1) % 2)
                    else:
                        nxt_exists = g + 1 < n_groups

                        @pl.when(nxt_exists)
                        def _():
                            wait_idx(1 - s)
                            gather(1 - s, 0, 0)

                    wait_row(k % 2)
                    pltpu.sync_copy(rowbuf.at[k % 2],
                                    agg_sh.at[dst_v.at[s, k]], add=True)

                @pl.when(g + 2 < n_groups)
                def _():
                    fetch_idx(g + 2, s)

            return carry

        lax.fori_loop(0, n_groups // 2, pair, 0)
        plsc.subcore_barrier()

        out_base = cid * n + base
        pltpu.sync_copy(agg_sh.at[pl.ds(base, rows_per_sub)],
                        agg_out.at[pl.ds(out_base, rows_per_sub)])

    zrows = jnp.zeros((rows_per_sub, H_DIM), jnp.float32)
    fn = pl.kernel(body, out_type=jax.ShapeDtypeStruct((NC * n, H_DIM),
                                                       jnp.float32),
                   mesh=mesh, scratch_types=scratch)
    return fn(h, src_idx, dst_idx, zrows)


@functools.partial(jax.jit, static_argnames=("n_chunks",))
def _sc_degree(dst_idx, n_chunks):
    n = N_PAD
    rows_per_sub = n // NS
    mesh = plsc.VectorSubcoreMesh(core_axis_name="c", subcore_axis_name="s")

    scratch = [
        pltpu.VMEM((n_chunks, CHUNK), jnp.int32),
        pltpu.VMEM((CHUNK, DEGW), jnp.float32),
        pltpu.VMEM_SHARED((n, DEGW), jnp.float32),
    ]

    def body(dst_hbm, zdeg_hbm, ones_hbm, deg_out, dst_v, ones_v, deg_sh):
        cid = lax.axis_index("c")
        sid = lax.axis_index("s")
        wid = cid * NS + sid

        pltpu.sync_copy(dst_hbm.at[wid], dst_v)
        pltpu.sync_copy(ones_hbm, ones_v)
        base = sid * rows_per_sub
        pltpu.sync_copy(zdeg_hbm, deg_sh.at[pl.ds(base, rows_per_sub)])
        plsc.subcore_barrier()

        def step(j, carry):
            pltpu.sync_copy(ones_v, deg_sh.at[dst_v.at[j]], add=True)
            return carry

        lax.fori_loop(0, n_chunks, step, 0)
        plsc.subcore_barrier()

        out_base = cid * n + base
        pltpu.sync_copy(deg_sh.at[pl.ds(base, rows_per_sub)],
                        deg_out.at[pl.ds(out_base, rows_per_sub)])

    zdeg = jnp.zeros((rows_per_sub, DEGW), jnp.float32)
    ones = jnp.ones((CHUNK, DEGW), jnp.float32)
    fn = pl.kernel(body, out_type=jax.ShapeDtypeStruct((NC * n, DEGW),
                                                       jnp.float32),
                   mesh=mesh, scratch_types=scratch)
    return fn(dst_idx, zdeg, ones)



def _bn(x, gamma, beta):
    mu = jnp.mean(x, axis=0, keepdims=True)
    xc = x - mu
    var = jnp.mean(xc * xc, axis=0, keepdims=True)
    return xc * lax.rsqrt(var + EPS) * gamma + beta


def _tc1_body(x_ref, g_ref, be_ref, w_ref, o_ref):
    xh = _bn(x_ref[...], g_ref[...], be_ref[...])
    o_ref[...] = jnp.dot(xh, w_ref[...], preferred_element_type=jnp.float32)


def _tc2_body(pa_ref, pb_ref, da_ref, db_ref, b_ref, g_ref, be_ref, w_ref,
              o_ref):
    deg = jnp.maximum(da_ref[...][:, :1] + db_ref[...][:, :1], 1.0)
    agg = (pa_ref[...] + pb_ref[...]) / deg
    o1 = jnp.maximum(agg + b_ref[...], 0.0)
    xh = _bn(o1, g_ref[...], be_ref[...])
    o_ref[...] = jnp.dot(xh, w_ref[...], preferred_element_type=jnp.float32)


def _tc3_body(pa_ref, pb_ref, da_ref, db_ref, b_ref, w_ref, bo_ref, o_ref):
    deg = jnp.maximum(da_ref[...][:, :1] + db_ref[...][:, :1], 1.0)
    agg = (pa_ref[...] + pb_ref[...]) / deg
    o2 = jnp.maximum(agg + b_ref[...], 0.0)
    logits = jnp.dot(o2, w_ref[...], preferred_element_type=jnp.float32)
    logits = logits + bo_ref[...]
    m = jnp.max(logits, axis=1, keepdims=True)
    z = logits - m
    lse = jnp.log(jnp.sum(jnp.exp(z), axis=1, keepdims=True))
    o_ref[...] = z - lse


def _dense(body, out_cols, *args):
    return pl.pallas_call(
        body,
        out_shape=jax.ShapeDtypeStruct((N_NODES, out_cols), jnp.float32),
    )(*args)



def kernel(x, edge_index_all, gamma1, beta1, W1, b1, gamma2, beta2, W2, b2,
           Wout, bout):
    n = x.shape[0]
    e = edge_index_all.shape[1]
    per_tile_chunks = -(-e // (NW * CHUNK))
    per_tile_chunks = -(-per_tile_chunks // (2 * IDXG)) * (2 * IDXG)
    e_pad = NW * per_tile_chunks * CHUNK

    src = edge_index_all[0]
    dst = edge_index_all[1]
    if e_pad != e:
        pad = e_pad - e
        src = jnp.concatenate([src, jnp.zeros((pad,), jnp.int32)])
        dst = jnp.concatenate([dst, jnp.full((pad,), n, jnp.int32)])
    src = src.reshape(NW, per_tile_chunks, CHUNK)
    dst = dst.reshape(NW, per_tile_chunks, CHUNK)

    g1 = gamma1.reshape(1, -1)
    be1 = beta1.reshape(1, -1)
    g2 = gamma2.reshape(1, -1)
    be2 = beta2.reshape(1, -1)
    bb1 = b1.reshape(1, -1)
    bb2 = b2.reshape(1, -1)
    bo = bout.reshape(1, -1)

    h1 = _dense(_tc1_body, H_DIM, x, g1, be1, W1)
    degp = _sc_degree(dst, n_chunks=per_tile_chunks)
    p1 = _sc_aggregate(h1, src, dst, n_chunks=per_tile_chunks)
    p1a, p1b = p1[:n], p1[N_PAD:N_PAD + n]
    da, db = degp[:n], degp[N_PAD:N_PAD + n]
    h2 = _dense(_tc2_body, H_DIM, p1a, p1b, da, db, bb1, g2, be2, W2)
    p2 = _sc_aggregate(h2, src, dst, n_chunks=per_tile_chunks)
    p2a, p2b = p2[:n], p2[N_PAD:N_PAD + n]
    out = _dense(_tc3_body, Wout.shape[1], p2a, p2b, da, db, bb2, Wout, bo)
    return out

# --- scband reference (transcript-rebuilt; emitter-appended) ---
"""Pipeline reference for scband-graph-net-20985210208981 (READ-ONLY COPY).

The authoritative reference and input builder live on the scoring server;
editing this copy changes nothing except your own understanding.
"""

import jax, jax.numpy as jnp
import numpy as np

N = 10000
E = 320000
D = 128
H = 128
C = 40


def _batch_norm(x, gamma, beta, eps=1e-5):
    mu = jnp.mean(x, axis=0)
    var = jnp.var(x, axis=0)
    return (x - mu) / jnp.sqrt(var + eps) * gamma + beta


def _gcn_layer(x, W, b, src, dst, n):
    h = x @ W
    msg = jnp.take(h, src, axis=0)
    agg = jax.ops.segment_sum(msg, dst, num_segments=n)
    deg = jax.ops.segment_sum(jnp.ones((src.shape[0],), dtype=h.dtype), dst, num_segments=n)
    agg = agg / jnp.clip(deg, 1.0)[:, None]
    return agg + b


def setup_inputs(seed: int = 0):
    key = jax.random.key(seed)
    ks = jax.random.split(key, 12)
    x = jax.random.normal(ks[0], (N, D), dtype=jnp.float32)
    edge_index_all = jax.random.randint(ks[1], (2, E), 0, N, dtype=jnp.int32)
    W1 = jax.random.normal(ks[2], (D, H), dtype=jnp.float32) * (1.0 / np.sqrt(D))
    b1 = jnp.zeros((H,), dtype=jnp.float32)
    W2 = jax.random.normal(ks[3], (H, H), dtype=jnp.float32) * (1.0 / np.sqrt(H))
    b2 = jnp.zeros((H,), dtype=jnp.float32)
    Wout = jax.random.normal(ks[4], (H, C), dtype=jnp.float32) * (1.0 / np.sqrt(H))
    bout = jnp.zeros((C,), dtype=jnp.float32)
    gamma1 = jnp.ones((D,), dtype=jnp.float32)
    beta1 = jnp.zeros((D,), dtype=jnp.float32)
    gamma2 = jnp.ones((H,), dtype=jnp.float32)
    beta2 = jnp.zeros((H,), dtype=jnp.float32)
    return {
        "x": x,
        "edge_index_all": edge_index_all,
        "gamma1": gamma1,
        "beta1": beta1,
        "W1": W1,
        "b1": b1,
        "gamma2": gamma2,
        "beta2": beta2,
        "W2": W2,
        "b2": b2,
        "Wout": Wout,
        "bout": bout,
    }


def reference(x, edge_index_all, gamma1, beta1, W1, b1, gamma2, beta2, W2, b2, Wout, bout):
    # Eval-mode forward: dropout is identity (training=False).
    src = edge_index_all[0]
    dst = edge_index_all[1]
    n = x.shape[0]
    out = x
    # layer 1: bn -> gnn -> act
    out = _batch_norm(out, gamma1, beta1)
    out = jax.nn.relu(_gcn_layer(out, W1, b1, src, dst, n))
    # layer 2: bn -> gnn -> act
    out = _batch_norm(out, gamma2, beta2)
    out = jax.nn.relu(_gcn_layer(out, W2, b2, src, dst, n))
    # classifier head (mlp)
    out = out @ Wout + bout
    # not multi_label -> log_softmax
    return jax.nn.log_softmax(out, axis=1)

if __name__ == "__main__":
    import jax
    _d = setup_inputs()
    print(jax.jit(kernel)(*tuple(_d.values())))

</pallas_src>

<mosaic_0001>
#map = affine_map<(d0, d1) -> (0, 0, 0)>
#map1 = affine_map<(d0, d1) -> (0, 0)>
module attributes {stable_mosaic.version = 14 : i64} {
  func.func @body(%arg0: i32, %arg1: i32, %arg2: memref<32x80x128xi32, #tpu.memory_space<hbm>>, %arg3: memref<640x128xf32, #tpu.memory_space<hbm>>, %arg4: memref<128x128xf32, #tpu.memory_space<hbm>>, %arg5: memref<20480x128xf32, #tpu.memory_space<hbm>>, %arg6: memref<80x128xi32, #tpu.memory_space<vmem>>, %arg7: memref<128x128xf32, #tpu.memory_space<vmem>>, %arg8: memref<10240x128xf32, #tpu.memory_space<vmem_shared>>) attributes {dimension_semantics = [#tpu.dimension_semantics<core_parallel>, #tpu.dimension_semantics<subcore_parallel>], iteration_bounds = array<i64: 2, 16>, scalar_prefetch = 0 : i64, scratch_operands = 3 : i64, tpu.core_type = #tpu.core_type<sc_vector_subcore>, window_params = [{transform_indices = #map}, {transform_indices = #map1}, {transform_indices = #map1}, {transform_indices = #map1}]} {
    %mul3A = arith.constant 16 : i32
    %mul3A_0 = arith.muli %arg0, %mul3A : i32
    %add3A = arith.addi %mul3A_0, %arg1 : i32
    "tpu.region"() ({
      %run_scoped3A = tpu.sem_alloc : memref<!tpu.dma_semaphore, #tpu.memory_space<semaphore_mem>>
      %dma_start3A = arith.constant 0 : i32
      %dma_start3A_12 = arith.constant 0 : i32
      %dma_start3A_13 = tpu.memref_slice %arg2[%add3A, %dma_start3A, %dma_start3A_12] : memref<32x80x128xi32, #tpu.memory_space<hbm>> -> memref<1x80x128xi32, #tpu.memory_space<hbm>>
      %dma_start3A_14 = tpu.memref_squeeze %dma_start3A_13 : memref<1x80x128xi32, #tpu.memory_space<hbm>> -> memref<80x128xi32, #tpu.memory_space<hbm>>
      %dma_start3A_15 = arith.constant 0 : i32
      %dma_start3A_16 = arith.constant 0 : i32
      %dma_start3A_17 = tpu.memref_slice %arg2[%add3A, %dma_start3A_15, %dma_start3A_16] : memref<32x80x128xi32, #tpu.memory_space<hbm>> -> memref<1x80x128xi32, #tpu.memory_space<hbm>>
      %dma_start3A_18 = tpu.memref_squeeze %dma_start3A_17 : memref<1x80x128xi32, #tpu.memory_space<hbm>> -> memref<80x128xi32, #tpu.memory_space<hbm>>
      tpu.enqueue_dma source(%dma_start3A_18 : memref<80x128xi32, #tpu.memory_space<hbm>>) target(%arg6 : memref<80x128xi32, #tpu.memory_space<vmem>>) target_semaphore(%run_scoped3A : memref<!tpu.dma_semaphore, #tpu.memory_space<semaphore_mem>>)
      %dma_wait3A = arith.constant 0 : i32
      %dma_wait3A_19 = arith.constant 0 : i32
      %dma_wait3A_20 = tpu.memref_slice %arg2[%add3A, %dma_wait3A, %dma_wait3A_19] : memref<32x80x128xi32, #tpu.memory_space<hbm>> -> memref<1x80x128xi32, #tpu.memory_space<hbm>>
      %dma_wait3A_21 = tpu.memref_squeeze %dma_wait3A_20 : memref<1x80x128xi32, #tpu.memory_space<hbm>> -> memref<80x128xi32, #tpu.memory_space<hbm>>
      %dma_wait3A_22 = arith.constant 0 : i32
      %dma_wait3A_23 = arith.constant 0 : i32
      %dma_wait3A_24 = tpu.memref_slice %arg2[%add3A, %dma_wait3A_22, %dma_wait3A_23] : memref<32x80x128xi32, #tpu.memory_space<hbm>> -> memref<1x80x128xi32, #tpu.memory_space<hbm>>
      %dma_wait3A_25 = tpu.memref_squeeze %dma_wait3A_24 : memref<1x80x128xi32, #tpu.memory_space<hbm>> -> memref<80x128xi32, #tpu.memory_space<hbm>>
      tpu.wait_dma2 semaphore(%run_scoped3A : memref<!tpu.dma_semaphore, #tpu.memory_space<semaphore_mem>>) src(%dma_wait3A_25 : memref<80x128xi32, #tpu.memory_space<hbm>>) dst(%arg6 : memref<80x128xi32, #tpu.memory_space<vmem>>)
      tpu.yield
    }) : () -> ()
    "tpu.region"() ({
      %run_scoped3A = tpu.sem_alloc : memref<!tpu.dma_semaphore, #tpu.memory_space<semaphore_mem>>
      tpu.enqueue_dma source(%arg4 : memref<128x128xf32, #tpu.memory_space<hbm>>) target(%arg7 : memref<128x128xf32, #tpu.memory_space<vmem>>) target_semaphore(%run_scoped3A : memref<!tpu.dma_semaphore, #tpu.memory_space<semaphore_mem>>)
      tpu.wait_dma2 semaphore(%run_scoped3A : memref<!tpu.dma_semaphore, #tpu.memory_space<semaphore_mem>>) src(%arg4 : memref<128x128xf32, #tpu.memory_space<hbm>>) dst(%arg7 : memref<128x128xf32, #tpu.memory_space<vmem>>)
      tpu.yield
    }) : () -> ()
    %mul3A_1 = arith.constant 640 : i32
    %mul3A_2 = arith.muli %arg1, %mul3A_1 : i32
    "tpu.region"() ({
      %run_scoped3A = tpu.sem_alloc : memref<!tpu.dma_semaphore, #tpu.memory_space<semaphore_mem>>
      %dma_start3A = arith.constant 0 : i32
      %dma_start3A_12 = tpu.memref_slice %arg8[%mul3A_2, %dma_start3A] : memref<10240x128xf32, #tpu.memory_space<vmem_shared>> -> memref<640x128xf32, #tpu.memory_space<vmem_shared>>
      tpu.enqueue_dma source(%arg3 : memref<640x128xf32, #tpu.memory_space<hbm>>) target(%dma_start3A_12 : memref<640x128xf32, #tpu.memory_space<vmem_shared>>) target_semaphore(%run_scoped3A : memref<!tpu.dma_semaphore, #tpu.memory_space<semaphore_mem>>)
      %dma_wait3A = arith.constant 0 : i32
      %dma_wait3A_13 = tpu.memref_slice %arg8[%mul3A_2, %dma_wait3A] : memref<10240x128xf32, #tpu.memory_space<vmem_shared>> -> memref<640x128xf32, #tpu.memory_space<vmem_shared>>
      tpu.wait_dma2 semaphore(%run_scoped3A : memref<!tpu.dma_semaphore, #tpu.memory_space<semaphore_mem>>) src(%arg3 : memref<640x128xf32, #tpu.memory_space<hbm>>) dst(%dma_wait3A_13 : memref<640x128xf32, #tpu.memory_space<vmem_shared>>)
      tpu.yield
    }) : () -> ()
    %barrier3A = arith.constant 0 : index
    tpu.barrier barrier_id(%barrier3A)
    %scan3A = arith.constant 0 : i32
    %scan3A_3 = arith.constant 0 : i32
    %scan3A_4 = arith.constant 80 : i32
    %scan3A_5 = arith.addi %scan3A_3, %scan3A_4 : i32
    %scan3A_6 = arith.constant 1 : i32
    scf.for %scan3A_12 = %scan3A_3 to %scan3A_5 step %scan3A_6  : i32 {
      "tpu.region"() ({
        %run_scoped3A = tpu.sem_alloc : memref<!tpu.dma_semaphore, #tpu.memory_space<semaphore_mem>>
        %dma_start3A = arith.constant 0 : i32
        %dma_start3A_13 = tpu.memref_slice %arg6[%scan3A_12, %dma_start3A] : memref<80x128xi32, #tpu.memory_space<vmem>> -> memref<1x128xi32, #tpu.memory_space<vmem>>
        %dma_start3A_14 = tpu.memref_squeeze %dma_start3A_13 : memref<1x128xi32, #tpu.memory_space<vmem>> -> memref<128xi32, #tpu.memory_space<vmem>>
        %dma_start3A_15 = arith.constant 0 : i32
        %dma_start3A_16 = arith.constant 0 : i32
        %dma_start3A_17 = tpu.memref_slice %arg8[%dma_start3A_15, %dma_start3A_16] : memref<10240x128xf32, #tpu.memory_space<vmem_shared>> -> memref<10240x128xf32, #tpu.memory_space<vmem_shared>>
        tpu.enqueue_indirect_dma source(%arg7 : memref<128x128xf32, #tpu.memory_space<vmem>>) target(%dma_start3A_17 : memref<10240x128xf32, #tpu.memory_space<vmem_shared>>) offsets(%dma_start3A_14 : memref<128xi32, #tpu.memory_space<vmem>>) semaphore(%run_scoped3A : memref<!tpu.dma_semaphore, #tpu.memory_space<semaphore_mem>>) {add = true}
        %dma_wait3A = arith.constant 0 : i32
        %dma_wait3A_18 = tpu.memref_slice %arg6[%scan3A_12, %dma_wait3A] : memref<80x128xi32, #tpu.memory_space<vmem>> -> memref<1x128xi32, #tpu.memory_space<vmem>>
        %dma_wait3A_19 = tpu.memref_squeeze %dma_wait3A_18 : memref<1x128xi32, #tpu.memory_space<vmem>> -> memref<128xi32, #tpu.memory_space<vmem>>
        %dma_wait3A_20 = arith.constant 0 : i32
        %dma_wait3A_21 = arith.constant 0 : i32
        %dma_wait3A_22 = tpu.memref_slice %arg8[%dma_wait3A_20, %dma_wait3A_21] : memref<10240x128xf32, #tpu.memory_space<vmem_shared>> -> memref<10240x128xf32, #tpu.memory_space<vmem_shared>>
        tpu.wait_indirect_dma semaphore(%run_scoped3A : memref<!tpu.dma_semaphore, #tpu.memory_space<semaphore_mem>>) src(%arg7 : memref<128x128xf32, #tpu.memory_space<vmem>>) dst(%dma_wait3A_22 : memref<10240x128xf32, #tpu.memory_space<vmem_shared>>)
        tpu.yield
      }) : () -> ()
    }
    %scan3A_7 = arith.constant 80 : i32
    %barrier3A_8 = arith.constant 0 : index
    tpu.barrier barrier_id(%barrier3A_8)
    %mul3A_9 = arith.constant 10240 : i32
    %mul3A_10 = arith.muli %arg0, %mul3A_9 : i32
    %add3A_11 = arith.addi %mul3A_10, %mul3A_2 : i32
    "tpu.region"() ({
      %run_scoped3A = tpu.sem_alloc : memref<!tpu.dma_semaphore, #tpu.memory_space<semaphore_mem>>
      %dma_start3A = arith.constant 0 : i32
      %dma_start3A_12 = tpu.memref_slice %arg5[%add3A_11, %dma_start3A] : memref<20480x128xf32, #tpu.memory_space<hbm>> -> memref<640x128xf32, #tpu.memory_space<hbm>>
      %dma_start3A_13 = arith.constant 0 : i32
      %dma_start3A_14 = tpu.memref_slice %arg8[%mul3A_2, %dma_start3A_13] : memref<10240x128xf32, #tpu.memory_space<vmem_shared>> -> memref<640x128xf32, #tpu.memory_space<vmem_shared>>
      tpu.enqueue_dma source(%dma_start3A_14 : memref<640x128xf32, #tpu.memory_space<vmem_shared>>) target(%dma_start3A_12 : memref<640x128xf32, #tpu.memory_space<hbm>>) target_semaphore(%run_scoped3A : memref<!tpu.dma_semaphore, #tpu.memory_space<semaphore_mem>>)
      %dma_wait3A = arith.constant 0 : i32
      %dma_wait3A_15 = tpu.memref_slice %arg5[%add3A_11, %dma_wait3A] : memref<20480x128xf32, #tpu.memory_space<hbm>> -> memref<640x128xf32, #tpu.memory_space<hbm>>
      %dma_wait3A_16 = arith.constant 0 : i32
      %dma_wait3A_17 = tpu.memref_slice %arg8[%mul3A_2, %dma_wait3A_16] : memref<10240x128xf32, #tpu.memory_space<vmem_shared>> -> memref<640x128xf32, #tpu.memory_space<vmem_shared>>
      tpu.wait_dma2 semaphore(%run_scoped3A : memref<!tpu.dma_semaphore, #tpu.memory_space<semaphore_mem>>) src(%dma_wait3A_17 : memref<640x128xf32, #tpu.memory_space<vmem_shared>>) dst(%dma_wait3A_15 : memref<640x128xf32, #tpu.memory_space<hbm>>)
      tpu.yield
    }) : () -> ()
    return
  }
}

</mosaic_0001>

<sc_bundles>
// kernel: _sc_degree.3.cloned.1.call-start
scs
__scs_entry_jumppad:
0x0: {  	(pc) =	sbr.rel $0x88, $3  }
0x1: {  	(tag) =	ssettag $0x0;
	lr =	simm.s32 $0x1  }
0x2: {  	[smem:$0x3FA0] =	sst lr;
	_ =	strace $0xD0000000  }
0x3: {  	_ = 	snop  }
0x4: {  	_ = 	snop  }
0x5: {  	_ = 	snop  }
0x6: {  	_ = 	snop  }
0x7: {  	_ = 	snop  }
__scs_overlays_trampoline_lowered:
0x8: {  	[smem:$0x3FAF] =	sst s0  }
0x9: {  	[smem:$0x3FB0] =	sst s1  }
0xa: {  	[smem:$0x3FB1] =	sst s2  }
0xb: {  	[smem:$0x3FB2] =	sst s3  }
0xc: {  	[smem:$0x3FB3] =	sst s4  }
0xd: {  	[smem:$0x3FB4] =	sst s5  }
0xe: {  	[smem:$0x3FB5] =	sst s6  }
0xf: {  	[smem:$0x3FB6] =	sst s7  }
0x10: {  	[smem:$0x3FB7] =	sst s8  }
0x11: {  	[smem:$0x3FB8] =	sst s9;
	s0 =	simm.s32 @!p0 $0x0  }
0x12: {  	s1 =	sld [smem:$0x3F9E];
	s0 =	simm.s32 @p0 $0x1  }
0x13: {  	[smem:$0x3FB9] =	sst s0;
	s0 =	simm.s32 @!p1 $0x0  }
0x14: {  	s2 =	sld [smem:$0x3F9D];
	s0 =	simm.s32 @p1 $0x1  }
0x15: {  	[smem:$0x3FBA] =	sst s0;
	s0 =	simm.s32 @!p2 $0x0  }
0x16: {  	s3 =	sld [smem:$0x3FDB];
	s0 =	simm.s32 @p2 $0x1  }
0x17: {  	s4 =	simm.s32 $0x1BF5;
	[smem:$0x3FBC] =	sst s0  }
0x18: {  	s0 =	sld [smem:$0x3F9F];
	_ =	swait.ge [sflag:s4], $0x0  }
0x19: {  	s7 =	sld [smem:$0x3FA0]  }
0x1a: {  	s8 =	sadd.s32 $0xFFFFE003, lr  }
0x1b: {  	s9 =	sadd.s32 $0xFFFFFEF7, lr;
	s5 =	simm.s32 $0xFFFFFFFF;
	p2 =	slt.u32 s8, $0xFFFFF086  }
0x1c: {  	p1 =	slt.u32 s9, $0xF7A;
	s5 =	simm.s32 @!p2 $0x0  }
0x1d: {  	s5 =	simm.s32 @p1 $0x1;
	p0 =	seq.s32 s7, s2  }
0x1e: {  	s7 =	smul.u32 @!p0 $0xF7A, s2;
	p2 =	seq.s32 @!p0 s5, $0x0  }
0x1f: {  	s9 =	smul.u32 $0xF7A, s1;
	s8 =	simm.s32 @!p0 $0x1BF5;
	p2 =	por !p2, p0  }
0x20: {  	[sflag:s8] =	ssyncset.s32 @!p0 $0xFFFFF086;
	s6 =	sadd.s32 @!p0 s3, s7;
	s7 =	simm.s32 @!p0 $0x108  }
0x21: {  	s3 =	sadd.s32 s3, s9;
	s6 =	sadd.s32 @!p0 $0x88, s6;
	s7 =	simm.s32 @p2 $0x1082  }
0x22: {  	[simem:s7], [sflag:s8] =	dma.local @!p0 [hbm:s6], $0xF7A  }
0x23: {  	s9 =	sor.u32 $0xD0000000, s2;
	s6 =	simm.s32 $0x108;
	_ =	swait.ge @!p0 [sflag:s8], $0x0  }
0x24: {  	s3 =	sadd.s32 $0x88, s3;
	s6 =	simm.s32 @!p1 $0x1082;
	[sflag:s4] =	ssyncset.s32 $0xFFFFF086  }
0x25: {  	[simem:s6], [sflag:s4] =	dma.local [hbm:s3], $0xF7A  }
0x26: {  	[smem:$0x3FA0] =	sst s1;
	(tag) =	ssettag s2;
	_ =	strace s9  }
0x27: {  	s1 =	sld [smem:$0x3FB0]  }
0x28: {  	s2 =	sld [smem:$0x3FB1]  }
0x29: {  	s4 =	sld [smem:$0x3FB3]  }
0x2a: {  	p0 =	seq.s32 s5, $0x0;
	s5 =	sld [smem:$0x3FB4]  }
0x2b: {  	s6 =	sld [smem:$0x3FB5]  }
0x2c: {  	s7 =	sld [smem:$0x3FB6]  }
0x2d: {  	s3 =	simm.s32 $0x108;
	s8 =	sld [smem:$0x3FB7]  }
0x2e: {  	s3 =	simm.s32 @!p0 $0x1082;
	s9 =	sld [smem:$0x3FB8]  }
0x2f: {  	lr =	sadd.s32 s0, s3;
	s0 =	sld [smem:$0x3FAF]  }
0x30: {  	s3 =	sld [smem:$0x3FB2]  }
0x31: {  	[smem:$0x3FBB] =	sst s10  }
0x32: {  	s10 =	sld [smem:$0x3FB9];
	_ =	sdelay $0x3  }
0x33: {  	p0 =	seq.s32 s10, $0x1;
	s10 =	sld [smem:$0x3FBB];
	_ =	sdelay $0x3  }
0x34: {  	[smem:$0x3FBB] =	sst s10  }
0x35: {  	s10 =	sld [smem:$0x3FBA];
	_ =	sdelay $0x3  }
0x36: {  	p1 =	seq.s32 s10, $0x1;
	s10 =	sld [smem:$0x3FBB];
	_ =	sdelay $0x3  }
0x37: {  	[smem:$0x3FBB] =	sst s10  }
0x38: {  	s10 =	sld [smem:$0x3FBC]  }
0x39: {  	_ = 	snop;
	(pc) =	sbr.ind lr, $3  }
0x3a: {  	_ = 	snop  }
0x3b: {  	_ = 	snop  }
0x3c: {  	p2 =	seq.s32 s10, $0x1;
	s10 =	sld [smem:$0x3FBB]  }
0x3d: {  	_ =	shalt  }
0x3e: {  	_ =	shalt  }
0x3f: {  	_ =	shalt  }
0x40: {  	_ =	shalt  }
0x41: {  	_ =	shalt  }
0x42: {  	_ =	shalt  }
0x43: {  	_ =	shalt  }
0x44: {  	_ =	shalt  }
0x45: {  	_ =	shalt  }
0x46: {  	_ =	shalt  }
0x47: {  	_ =	shalt  }
0x48: {  	_ =	shalt  }
0x49: {  	_ =	shalt  }
0x4a: {  	_ =	shalt  }
0x4b: {  	_ =	shalt  }
0x4c: {  	_ =	shalt  }
0x4d: {  	_ =	shalt  }
0x4e: {  	_ =	shalt  }
0x4f: {  	_ =	shalt  }
0x50: {  	_ =	shalt  }
0x51: {  	_ =	shalt  }
0x52: {  	_ =	shalt  }
0x53: {  	_ =	shalt  }
0x54: {  	_ =	shalt  }
0x55: {  	_ =	shalt  }
0x56: {  	_ =	shalt  }
0x57: {  	_ =	shalt  }
0x58: {  	_ =	shalt  }
0x59: {  	_ =	shalt  }
0x5a: {  	_ =	shalt  }
0x5b: {  	_ =	shalt  }
0x5c: {  	_ =	shalt  }
0x5d: {  	_ =	shalt  }
0x5e: {  	_ =	shalt  }
0x5f: {  	_ =	shalt  }
0x60: {  	_ =	shalt  }
0x61: {  	_ =	shalt  }
0x62: {  	_ =	shalt  }
0x63: {  	_ =	shalt  }
0x64: {  	_ =	shalt  }
0x65: {  	_ =	shalt  }
0x66: {  	_ =	shalt  }
0x67: {  	_ =	shalt  }
0x68: {  	_ =	shalt  }
0x69: {  	_ =	shalt  }
0x6a: {  	_ =	shalt  }
0x6b: {  	_ =	shalt  }
0x6c: {  	_ =	shalt  }
0x6d: {  	_ =	shalt  }
0x6e: {  	_ =	shalt  }
0x6f: {  	_ =	shalt  }
0x70: {  	_ =	shalt  }
0x71: {  	_ =	shalt  }
0x72: {  	_ =	shalt  }
0x73: {  	_ =	shalt  }
0x74: {  	_ =	shalt  }
0x75: {  	_ =	shalt  }
0x76: {  	_ =	shalt  }
0x77: {  	_ =	shalt  }
0x78: {  	_ =	shalt  }
0x79: {  	_ =	shalt  }
0x7a: {  	_ =	shalt  }
0x7b: {  	_ =	shalt  }
0x7c: {  	_ =	shalt  }
0x7d: {  	_ =	shalt  }
0x7e: {  	_ =	shalt  }
0x7f: {  	_ =	shalt  }
0x80: {  	_ =	shalt  }
0x81: {  	_ =	shalt  }
0x82: {  	_ =	shalt  }
0x83: {  	_ =	shalt  }
0x84: {  	_ =	shalt  }
0x85: {  	_ =	shalt  }
0x86: {  	_ =	shalt  }
0x87: {  	_ =	shalt  }
.Lfunc_end0:
.L_simem_size_0:
called_computation_lowered:
.L_overlay_start_0:
0x88: {  	s2 =	sld [smem:$0x3FD9]  }
0x89: {  	s3 =	sld [smem:$0x3FFE];
	_ =	sdelay $0x1  }
0x8a: {  	s1 =	srdreg.scid  }
0x8b: {  	s0 =	sand.u32 $0x1, s1  }
0x8c: {  	s17 =	sshll.u32 s0, $0xA;
	s2 =	sadd.s32 s3, s2  }
0x8d: {  	s2 =	sadd.s32 s2, s17  }
0x8e: {  	[smem:$0x3FC7] =	sst s2  }
0x8f: {  	_ = 	snop  }
0x90: {  	s2 =	sld [smem:$0x3FC9]  }
0x91: {  	s18 =	sld [smem:$0x3FD0];
	(tm) =	ssettm $0x1  }
0x92: {  	s4 =	sld [smem:$0x3FFB];
	_ =	sdelay $0x3  }
0x93: {  	_ =	strace s4  }
0x94: {  	s4 =	sld [smem:$0x3FFC];
	_ =	sdelay $0x3  }
0x95: {  	_ =	strace s4  }
0x96: {  	s4 =	sld [smem:$0x3FFD];
	_ =	sdelay $0x3  }
0x97: {  	_ =	strace s4  }
0x98: {  	_ =	strace $0x8FFFFFFF  }
0x99: {  	s19 =	sld [smem:$0x3FDB];
	_ =	sdelay $0x1  }
0x9a: {  	s5 =	simm.s32 $_scs_section_size  }
0x9b: {  	s6 =	simm.s32 $_size__tile_overlayer_lowered;
	s7 =	simm.s32 $_tile_overlayer_lowered  }
0x9c: {  	s22 =	simm.s32 $0x1BFF;
	s21 =	sshll.u32 s7, $0x1;
	s4 =	sadd.s32 s5, s19  }
0x9d: {  	s8 =	simm.s32 $0x0;
	s20 =	sshll.u32 s6, $0x1;
	s6 =	sadd.s32 s21, s4  }
0x9e: {  	[timem:s8], [sflag:s22] =	dma.local [hbm:s6], s20  }
0x9f: {  	_ =	swait.ge [sflag:s22], s20  }
0xa0: {  	s5 =	ssub.s32 $0x0, s20;
	[sflag:s22] =	ssyncset.done $0x0  }
0xa1: {  	[sflag:s22] =	ssyncadd.s32 s5;
	_ =	sdelay $0x1  }
0xa2: {  	s23 =	simm.s32 $0x1B8B  }
0xa3: {  	_ =	swait.ge [sflag:s23], $0x1  }
0xa4: {  	[sflag:s23] =	ssyncset.done $0x0  }
0xa5: {  	s25 =	simm.s32 $0x1B8E;
	s24 =	sld [smem:$0x3FFE];
	[sflag:s23] =	ssyncadd.s32 $0xFFFFFFFF  }
0xa6: {  	s26 =	simm.s32 $execute0_lowered;
	[smem:$0x3FD2] =	sst s25  }
0xa7: {  	s6 =	sshll.u32 s26, $0x1;
	_ =	strace $0x80000046;
	[dreg:$0x1] =	wrdreg $0xFFFFFFFF  }
0xa8: {  	s28 =	simm.s32 $_size_execute0_lowered;
	s4 =	sadd.s32 s4, s6;
	[dreg:$0x0] =	wrdreg $0x0  }
0xa9: {  	s6 =	sshll.u32 s28, $0x1;
	[dreg:$0x2] =	wrdreg s4  }
0xaa: {  	[dreg:$0x3] =	wrdreg s6  }
0xab: {  	[dreg:$0x4] =	wrdreg $0xC0  }
0xac: {  	_ =	task [dreg:s8], $0x5FFFF  }
0xad: {  	[dreg:$0x1] =	wrdreg $0xFFFFFFFF  }
0xae: {  	[dreg:$0x0] =	wrdreg $0x60  }
0xaf: {  	[dreg:$0x2] =	wrdreg s2  }
0xb0: {  	[dreg:$0x3] =	wrdreg s24  }
0xb1: {  	[dreg:$0x4] =	wrdreg s18  }
0xb2: {  	[dreg:$0x5] =	wrdreg $0x68000  }
0xb3: {  	[dreg:$0x6] =	wrdreg $0x9  }
0xb4: {  	_ =	task.clear_ibuf [dreg:s8], $0x7FFFF;
	_ =	strace $0x90000046  }
0xb5: {  	s29 =	simm.s32 $0x9;
	_ =	strace $0x80000048  }
0xb6: {  	_ =	swait.ge [sflag:s29], $0x1  }
0xb7: {  	[sflag:s29] =	ssyncadd.s32 $0xFFFFFFFF  }
0xb8: {  	_ =	strace $0x90000048  }
0xb9: {  	_ =	sfence  }
0xba: {  	s30 =	sld [smem:$0x0];
	_ =	sdelay $0x2  }
0xbb: {  	s31 =	sshll.u32 s1, $0xD;
	s1 =	sshrl.u32 s1, $0x2  }
0xbc: {  	s3 =	sand.u32 $0x4000, s31;
	s1 =	sadd.s32 s1, s30  }
0xbd: {  	s0 =	sor.u32 s3, s0;
	s1 =	sshll.u32 s1, $0x11  }
0xbe: {  	s0 =	sor.u32 s1, s0  }
0xbf: {  	s0 =	sadd.s32 $0x8F2B, s0  }
0xc0: {  	[sflag:s0] =	ssyncadd.remote.s32 $0x1  }
0xc1: {  	_ =	sfence.sel $0xFFFF  }
0xc2: {  	[dreg:$0x0] =	wrdreg $0xFFFFFFFF;
	(pc) =	sbr.abs _section_cstart, $3  }
0xc3: {  	[dreg:$0x1] =	wrdreg $0xFFFFFFFF  }
0xc4: {  	_ =	task.clear_ibuf [dreg:s8], $0x2FFFF;
	_ =	strace $0x9FFFFFFF  }
0xc5: {  	(tm) =	ssettm $0x7FFFFFFF  }
tec
execute0_lowered:
.L_overlay_start_1:
0x0: {  	(tag) =	ssettag $0x1  }
0x1: {  	s6 =	rddreg [dreg:$0x0]  }
0x2: {  	s5 =	rddreg [dreg:$0x1]  }
0x3: {  	s8 =	rddreg [dreg:$0x2]  }
0x4: {  	s0 =	srdreg.scid;
	s2 =	rddreg [dreg:$0x3]  }
0x5: {  	s3 =	simm.s32 $0x0;
	s7 =	sand.u32 $0x1, s0;
	s0 =	stileid.u32  }
0x6: {  	s14 =	simm.s32 $0x0;
	[smem:$0x7FF] =	sst s3;
	s10 =	smul.u32 $0x2800, s0  }
0x7: {  	s1 =	sshll.u32 s7, $0x4;
	s11 =	ssub.s32 $0x2, s7;
	s12 =	smul.u32 $0x50000, s0  }
0x8: {  	s7 =	smul.u32 $0x28000, s7;
	s31 =	sshll.u32 s0, $0x6;
	s4 =	sor.u32 s0, s1  }
0x9: {  	s1 =	rddreg [dreg:$0x4];
	_ =	strace $0x80000047;
	s13 =	sshrl.u32 s11, $0x1  }
0xa: {  	s9 =	smul.u32 $0x500, s4;
	s4 =	sadd.s32 $0xC00, s5;
	s5 =	sadd.s32 $0x400, s5  }
0xb: {  	s11 =	ssub.s32 s11, s13;
	s12 =	sshrl.u32 s12, $0x2;
	s7 =	sadd.s32 s10, s7  }
0xc: {  	s10 =	simm.s32 $0x2800;
	s13 =	simm.s32 $0x80;
	s12 =	sadd.s32 s12, s2  }
0xd: {  	s7 =	sadd.s32 s8, s7;
	s8 =	smax.u32 s11, $0x1;
	s11 =	sor.u32 $0x1C01, s31  }
0xe: {  	s6 =	sadd.s32 s6, s9;
	s9 =	simm.s32 $0x1;
	s12 =	sshrl.u32 s12, $0x3  }
.LBB2_1:
0xf: {  	[tilespmem:s3], [sflag:$0x1] =	stream.linear.gather [hbm4b:s6+s3], $0x2800, $0x38;
	[tilespmem:$0x1A800] =	vst v63  }
0x10: {  	_ =	swait.ge [sflag:s9], $0x2800  }
0x11: {  	[sflag:s9] =	ssyncset.done $0x0  }
0x12: {  	[sflag:s9] =	ssyncadd.s32 $0xFFFFD800  }
0x13: {  	[tilespmem:s10], [sflag:$0x1] =	stream.linear.gather [hbm4b:s5+s3], $0x4000, $0x38;
	[tilespmem:$0x1A800] =	vst v63  }
0x14: {  	_ =	swait.ge [sflag:s9], $0x4000  }
0x15: {  	[sflag:s9] =	ssyncset.done $0x0  }
0x16: {  	[sflag:s9] =	ssyncadd.s32 $0xFFFFC000  }
0x17: {  	[spmem:s12], [sflag:s11] =	dma.local [hbm:s4], $0x2800  }
0x18: {  	_ =	swait.ge [sflag:s9], $0x2800  }
0x19: {  	[sflag:s9] =	ssyncset.done $0x0  }
0x1a: {  	[sflag:s9] =	ssyncadd.s32 $0xFFFFD800  }
0x1b: {  	s15 =	simm.s32 $0x0;
	[bflag:$0x0] =	sbarrier.arrive $0xFFFF  }
0x1c: {  	[spmem:s2] =	stream.indirect.scatter.add.f32 [tilespmem:s10], [sflag:$0x1], $0x80, s15, s13, $0xb8;
	[tilespmem:$0x1A800] =	vst v63  }
0x1d: {  	_ =	swait.ge [sflag:s9], $0x4000  }
0x1e: {  	s15 =	simm.s32 $0x200;
	[sflag:s9] =	ssyncset.done $0x0  }
.LBB2_2:
0x1f: {  	s16 =	sshra.s32 s15, $0x2;
	[sflag:s9] =	ssyncadd.s32 $0xFFFFC000;
	p0 =	sne.s32 s15, $0x9E00  }
0x20: {  	[spmem:s2] =	stream.indirect.scatter.add.f32 [tilespmem:s10], [sflag:$0x1], $0x80, s16, s13, $0xb8;
	[tilespmem:$0x1A800] =	vst v63  }
.Ltmp0:
0x21: {  	_ = 	snop;
	(pc) =	sbr.rel @p0 .LBB2_2-.Ltmp0, $4  }
0x22: {  	_ = 	snop  }
0x23: {  	s15 =	sadd.s32 $0x200, s15  }
0x24: {  	_ =	swait.ge [sflag:s9], $0x4000  }
0x25: {  	[sflag:s9] =	ssyncset.done $0x0  }
0x26: {  	s14 =	sadd.s32 $0x1, s14  }
0x27: {  	[sflag:s9] =	ssyncadd.s32 $0xFFFFC000;
	p0 =	sne.s32 s14, s8  }
.Ltmp1:
0x28: {  	[bflag:$0x0] =	sbarrier.arrive $0xFFFF;
	(pc) =	sbr.rel @p0 .LBB2_1-.Ltmp1, $4  }
0x29: {  	[hbm:s7], [sflag:s11] =	dma.local [spmem:s12], $0x2800  }
0x2a: {  	_ =	swait.ge [sflag:s9], $0x2800  }
0x2b: {  	[sflag:s9] =	ssyncset.done $0x0  }
0x2c: {  	[sflag:s9] =	ssyncadd.s32 $0xFFFFD800  }
0x2d: {  	_ =	sfence.sel $0x180000  }
0x2e: {  	[bflag:$0x0] =	sbarrier.arrive $0xFFFF  }
0x2f: {  	p0 =	sne.s32 s0, $0x0;
	_ =	strace $0x90000047  }
0x30: {  	s0 =	sadd.s32 @!p0 $0x100000, s1;
	[bflag:$0x2] =	sbarrier.arrive $0xFFFF  }
0x31: {  	[sflag:s0] =	ssyncadd.tile.s32 @!p0 $0x1;
	_ =	shalt  }
.Lfunc_end2:
_tile_overlayer_lowered:
.L_overlay_start_2:
0x32: {  	(tag) =	ssettag $0x2  }
0x33: {  	s0 =	rddreg [dreg:$0x0];
	s2 =	stileid.u32  }
0x34: {  	s1 =	rddreg [dreg:$0x1];
	p0 =	sne.s32 s2, $0x0  }
0x35: {  	s3 =	rddreg [dreg:$0x2];
	[bflag:$0x3] =	sbarrier.arrive $0xFFFF;
	s2 =	simm.s32 @!p0 $0x1C01  }
0x36: {  	[timem:s3], [sflag:s2] =	dma.local @!p0 [hbm:s0], s1  }
0x37: {  	s0 =	simm.s32 @!p0 $0x1  }
0x38: {  	_ =	swait.ge @!p0 [sflag:s0], s1  }
0x39: {  	s1 =	ssub.s32 @!p0 $0x0, s1;
	[sflag:s0] =	ssyncset.done @!p0 $0x0  }
0x3a: {  	[sflag:s0] =	ssyncadd.s32 @!p0 s1  }
0x3b: {  	[bflag:$0x3] =	sbarrier.arrive $0xFFFF  }
0x3c: {  	_ =	shalt  }

</sc_bundles>
